<compile_context>
chip_gen: v7x
topology: tpu7x:2x2x1
jax: 0.10.2.dev20260603
libtpu: 0.0.44.dev20260713+nightly
codegen_flags: <defaults>
</compile_context>

<pallas_src>
import functools

import jax
import jax.numpy as jnp
from jax import lax
from jax.experimental import pallas as pl
from jax.experimental.pallas import tpu as pltpu
from jax.experimental.pallas import tpu_sc as plsc

_EPS = 1e-12

B, C, H, W = 4, 64, 16, 16
HW = H * W
K = 1024
N = B * HW

_NC, _NS, _L = 2, 16, 16
_NW = _NC * _NS
_TPW = N // _NW


def _argmin_body(z_ref, cb_ref, idx_ref):
    cb = cb_ref[...]
    z = z_ref[...]
    cn2 = jnp.sum(cb * cb, axis=1, keepdims=True)
    sumsq = jnp.sum(z * z, axis=1, keepdims=True)
    inv = 1.0 / jnp.maximum(jnp.sqrt(sumsq), _EPS)
    invr = lax.transpose(inv, (1, 0))
    cb_hi = cb.astype(jnp.bfloat16)
    cb_lo = (cb - cb_hi.astype(jnp.float32)).astype(jnp.bfloat16)
    z_hi = z.astype(jnp.bfloat16)
    z_lo = (z - z_hi.astype(jnp.float32)).astype(jnp.bfloat16)
    dn = (((1,), (1,)), ((), ()))
    dots = (lax.dot_general(cb_hi, z_hi, dn, preferred_element_type=jnp.float32)
            + (lax.dot_general(cb_hi, z_lo, dn, preferred_element_type=jnp.float32)
               + lax.dot_general(cb_lo, z_hi, dn, preferred_element_type=jnp.float32)))
    scores = cn2 - (2.0 * invr) * dots
    mn = jnp.min(scores, axis=0, keepdims=True)
    ids = lax.broadcasted_iota(jnp.int32, scores.shape, 0)
    idx = jnp.min(jnp.where(scores == mn, ids, jnp.int32(K)), axis=0)
    idx_ref[...] = idx


def _nearest_code_indices(z2d, codebook):
    return pl.pallas_call(
        _argmin_body,
        out_shape=jax.ShapeDtypeStruct((N,), jnp.int32),
    )(z2d, codebook)


def _gather_body(cb_hbm, idx_hbm, out_hbm, idx_v, rows_v, cb_sh, sem):
    sid = lax.axis_index("s")
    wid = sid * _NC + lax.axis_index("c")
    base = wid * _TPW
    rows_per_sub = K // _NS
    pltpu.sync_copy(cb_hbm.at[pl.ds(sid * rows_per_sub, rows_per_sub)],
                    cb_sh.at[pl.ds(sid * rows_per_sub, rows_per_sub)])
    pltpu.sync_copy(idx_hbm.at[pl.ds(base, _TPW)], idx_v)
    plsc.subcore_barrier()
    pltpu.async_copy(cb_sh.at[idx_v], rows_v, sem).wait()
    pltpu.sync_copy(rows_v, out_hbm.at[pl.ds(base, _TPW)])


@functools.lru_cache(maxsize=1)
def _gather_sc():
    return pl.kernel(
        _gather_body,
        out_type=jax.ShapeDtypeStruct((N, C), jnp.float32),
        mesh=plsc.VectorSubcoreMesh(core_axis_name="c", subcore_axis_name="s",
                                    num_cores=_NC, num_subcores=_NS),
        scratch_types=[
            pltpu.VMEM((_TPW,), jnp.int32),
            pltpu.VMEM((_TPW, C), jnp.float32),
            pltpu.VMEM_SHARED((K, C), jnp.float32),
            pltpu.SemaphoreType.DMA,
        ],
        compiler_params=pltpu.CompilerParams(use_tc_tiling_on_sc=False,
                                             needs_layout_passes=False),
    )


def kernel(x, codebook):
    z2d = jnp.transpose(x, (0, 2, 3, 1)).reshape(N, C)
    idx = _nearest_code_indices(z2d, codebook)
    q = _gather_sc()(codebook, idx)
    return jnp.transpose(q.reshape(B, H, W, C), (0, 3, 1, 2))

# --- scband reference (transcript-rebuilt; emitter-appended) ---
"""Pipeline reference for scband-vqeuclid-43937515438639 (READ-ONLY COPY).

The authoritative reference and input builder live on the scoring server;
editing this copy changes nothing except your own understanding.
"""

import jax, jax.numpy as jnp
import numpy as np

NORMALIZED_LENGTH = 1.0

def setup_inputs(seed: int = 0) -> dict:
    key = jax.random.key(seed)
    k1, k2 = jax.random.split(key)
    x = jax.random.normal(k1, (4, 64, 16, 16), dtype=jnp.float32)
    codebook = jax.random.normal(k2, (1024, 64), dtype=jnp.float32)
    return {"x": x, "codebook": codebook}

def reference(x, codebook):
    # VQCodebook.forward: normalized_length > 0 -> x = L * F.normalize(x, dim=1)
    # (the codebook .div/.mul calls in torch are non-in-place and discarded, so codebook is unchanged)
    norm = jnp.linalg.norm(x, axis=1, keepdims=True)
    x = NORMALIZED_LENGTH * x / jnp.maximum(norm, 1e-12)
    B, C, H, W = x.shape
    # z = x.permute(0,2,3,1).reshape(-1, C)
    z = jnp.transpose(x, (0, 2, 3, 1)).reshape(-1, C)
    # d = ||z[:,None] - codebook[None,:]||_2 over feature dim
    d = jnp.linalg.norm(z[:, None, :] - codebook[None, :, :], axis=2)
    idx = jnp.argmin(d, axis=1)
    q = jnp.take(codebook, idx, axis=0)
    # q = q.view(B, H, W, C).permute(0, 3, 1, 2)
    q = jnp.transpose(q.reshape(B, H, W, C), (0, 3, 1, 2))
    return q

if __name__ == "__main__":
    import jax
    _d = setup_inputs()
    print(jax.jit(kernel)(*tuple(_d.values())))

</pallas_src>

<mosaic_0001>
#map = affine_map<(d0, d1) -> (0, 0)>
#map1 = affine_map<(d0, d1) -> (0)>
module attributes {stable_mosaic.version = 14 : i64} {
  func.func @_gather_body(%arg0: i32, %arg1: i32, %arg2: memref<1024x64xf32, #tpu.memory_space<hbm>>, %arg3: memref<1024xi32, #tpu.memory_space<hbm>>, %arg4: memref<1024x64xf32, #tpu.memory_space<hbm>>, %arg5: memref<32xi32, #tpu.memory_space<vmem>>, %arg6: memref<32x64xf32, #tpu.memory_space<vmem>>, %arg7: memref<1024x64xf32, #tpu.memory_space<vmem_shared>>, %arg8: memref<!tpu.dma_semaphore, #tpu.memory_space<semaphore_mem>>) attributes {dimension_semantics = [#tpu.dimension_semantics<core_parallel>, #tpu.dimension_semantics<subcore_parallel>], iteration_bounds = array<i64: 2, 16>, scalar_prefetch = 0 : i64, scratch_operands = 4 : i64, tpu.core_type = #tpu.core_type<sc_vector_subcore>, window_params = [{transform_indices = #map}, {transform_indices = #map1}, {transform_indices = #map}]} {
    %mul3A = arith.constant 2 : i32
    %mul3A_0 = arith.muli %arg1, %mul3A : i32
    %add3A = arith.addi %mul3A_0, %arg0 : i32
    %mul3A_1 = arith.constant 32 : i32
    %mul3A_2 = arith.muli %add3A, %mul3A_1 : i32
    %mul3A_3 = arith.constant 64 : i32
    %mul3A_4 = arith.muli %arg1, %mul3A_3 : i32
    %mul3A_5 = arith.constant 64 : i32
    %mul3A_6 = arith.muli %arg1, %mul3A_5 : i32
    "tpu.region"() ({
      %run_scoped3A = tpu.sem_alloc : memref<!tpu.dma_semaphore, #tpu.memory_space<semaphore_mem>>
      %dma_start3A_11 = arith.constant 0 : i32
      %dma_start3A_12 = tpu.memref_slice %arg7[%mul3A_6, %dma_start3A_11] : memref<1024x64xf32, #tpu.memory_space<vmem_shared>> -> memref<64x64xf32, #tpu.memory_space<vmem_shared>>
      %dma_start3A_13 = arith.constant 0 : i32
      %dma_start3A_14 = tpu.memref_slice %arg2[%mul3A_4, %dma_start3A_13] : memref<1024x64xf32, #tpu.memory_space<hbm>> -> memref<64x64xf32, #tpu.memory_space<hbm>>
      tpu.enqueue_dma source(%dma_start3A_14 : memref<64x64xf32, #tpu.memory_space<hbm>>) target(%dma_start3A_12 : memref<64x64xf32, #tpu.memory_space<vmem_shared>>) target_semaphore(%run_scoped3A : memref<!tpu.dma_semaphore, #tpu.memory_space<semaphore_mem>>)
      %dma_wait3A_15 = arith.constant 0 : i32
      %dma_wait3A_16 = tpu.memref_slice %arg7[%mul3A_6, %dma_wait3A_15] : memref<1024x64xf32, #tpu.memory_space<vmem_shared>> -> memref<64x64xf32, #tpu.memory_space<vmem_shared>>
      %dma_wait3A_17 = arith.constant 0 : i32
      %dma_wait3A_18 = tpu.memref_slice %arg2[%mul3A_4, %dma_wait3A_17] : memref<1024x64xf32, #tpu.memory_space<hbm>> -> memref<64x64xf32, #tpu.memory_space<hbm>>
      tpu.wait_dma2 semaphore(%run_scoped3A : memref<!tpu.dma_semaphore, #tpu.memory_space<semaphore_mem>>) src(%dma_wait3A_18 : memref<64x64xf32, #tpu.memory_space<hbm>>) dst(%dma_wait3A_16 : memref<64x64xf32, #tpu.memory_space<vmem_shared>>)
      tpu.yield
    }) : () -> ()
    "tpu.region"() ({
      %run_scoped3A = tpu.sem_alloc : memref<!tpu.dma_semaphore, #tpu.memory_space<semaphore_mem>>
      %dma_start3A_11 = tpu.memref_slice %arg3[%mul3A_2] : memref<1024xi32, #tpu.memory_space<hbm>> -> memref<32xi32, #tpu.memory_space<hbm>>
      %dma_start3A_12 = tpu.memref_slice %arg3[%mul3A_2] : memref<1024xi32, #tpu.memory_space<hbm>> -> memref<32xi32, #tpu.memory_space<hbm>>
      tpu.enqueue_dma source(%dma_start3A_12 : memref<32xi32, #tpu.memory_space<hbm>>) target(%arg5 : memref<32xi32, #tpu.memory_space<vmem>>) target_semaphore(%run_scoped3A : memref<!tpu.dma_semaphore, #tpu.memory_space<semaphore_mem>>)
      %dma_wait3A_13 = tpu.memref_slice %arg3[%mul3A_2] : memref<1024xi32, #tpu.memory_space<hbm>> -> memref<32xi32, #tpu.memory_space<hbm>>
      %dma_wait3A_14 = tpu.memref_slice %arg3[%mul3A_2] : memref<1024xi32, #tpu.memory_space<hbm>> -> memref<32xi32, #tpu.memory_space<hbm>>
      tpu.wait_dma2 semaphore(%run_scoped3A : memref<!tpu.dma_semaphore, #tpu.memory_space<semaphore_mem>>) src(%dma_wait3A_14 : memref<32xi32, #tpu.memory_space<hbm>>) dst(%arg5 : memref<32xi32, #tpu.memory_space<vmem>>)
      tpu.yield
    }) : () -> ()
    %barrier3A = arith.constant 0 : index
    tpu.barrier barrier_id(%barrier3A)
    %dma_start3A = arith.constant 0 : i32
    %dma_start3A_7 = arith.constant 0 : i32
    %dma_start3A_8 = tpu.memref_slice %arg7[%dma_start3A, %dma_start3A_7] : memref<1024x64xf32, #tpu.memory_space<vmem_shared>> -> memref<1024x64xf32, #tpu.memory_space<vmem_shared>>
    tpu.enqueue_indirect_dma source(%dma_start3A_8 : memref<1024x64xf32, #tpu.memory_space<vmem_shared>>) target(%arg6 : memref<32x64xf32, #tpu.memory_space<vmem>>) offsets(%arg5 : memref<32xi32, #tpu.memory_space<vmem>>) semaphore(%arg8 : memref<!tpu.dma_semaphore, #tpu.memory_space<semaphore_mem>>)
    %dma_wait3A = arith.constant 0 : i32
    %dma_wait3A_9 = arith.constant 0 : i32
    %dma_wait3A_10 = tpu.memref_slice %arg7[%dma_wait3A, %dma_wait3A_9] : memref<1024x64xf32, #tpu.memory_space<vmem_shared>> -> memref<1024x64xf32, #tpu.memory_space<vmem_shared>>
    tpu.wait_indirect_dma semaphore(%arg8 : memref<!tpu.dma_semaphore, #tpu.memory_space<semaphore_mem>>) src(%dma_wait3A_10 : memref<1024x64xf32, #tpu.memory_space<vmem_shared>>) dst(%arg6 : memref<32x64xf32, #tpu.memory_space<vmem>>)
    "tpu.region"() ({
      %run_scoped3A = tpu.sem_alloc : memref<!tpu.dma_semaphore, #tpu.memory_space<semaphore_mem>>
      %dma_start3A_11 = arith.constant 0 : i32
      %dma_start3A_12 = tpu.memref_slice %arg4[%mul3A_2, %dma_start3A_11] : memref<1024x64xf32, #tpu.memory_space<hbm>> -> memref<32x64xf32, #tpu.memory_space<hbm>>
      %dma_start3A_13 = arith.constant 0 : i32
      %dma_start3A_14 = tpu.memref_slice %arg4[%mul3A_2, %dma_start3A_13] : memref<1024x64xf32, #tpu.memory_space<hbm>> -> memref<32x64xf32, #tpu.memory_space<hbm>>
      tpu.enqueue_dma source(%arg6 : memref<32x64xf32, #tpu.memory_space<vmem>>) target(%dma_start3A_14 : memref<32x64xf32, #tpu.memory_space<hbm>>) target_semaphore(%run_scoped3A : memref<!tpu.dma_semaphore, #tpu.memory_space<semaphore_mem>>)
      %dma_wait3A_15 = arith.constant 0 : i32
      %dma_wait3A_16 = tpu.memref_slice %arg4[%mul3A_2, %dma_wait3A_15] : memref<1024x64xf32, #tpu.memory_space<hbm>> -> memref<32x64xf32, #tpu.memory_space<hbm>>
      %dma_wait3A_17 = arith.constant 0 : i32
      %dma_wait3A_18 = tpu.memref_slice %arg4[%mul3A_2, %dma_wait3A_17] : memref<1024x64xf32, #tpu.memory_space<hbm>> -> memref<32x64xf32, #tpu.memory_space<hbm>>
      tpu.wait_dma2 semaphore(%run_scoped3A : memref<!tpu.dma_semaphore, #tpu.memory_space<semaphore_mem>>) src(%arg6 : memref<32x64xf32, #tpu.memory_space<vmem>>) dst(%dma_wait3A_18 : memref<32x64xf32, #tpu.memory_space<hbm>>)
      tpu.yield
    }) : () -> ()
    return
  }
}

module attributes {stable_mosaic.version = 14 : i64} {
  func.func @_argmin_body(%arg0: memref<1024x64xf32, #tpu.memory_space<vmem>>, %arg1: memref<1024x64xf32, #tpu.memory_space<vmem>>, %arg2: memref<1024xi32, #tpu.memory_space<vmem>>) attributes {dimension_semantics = [], scalar_prefetch = 0 : i64, scratch_operands = 0 : i64, tpu.core_type = #tpu.core_type<tc>} {
    %get3A = arith.constant 0 : index
    %get3A_0 = arith.constant 0 : index
    %get3A_1 = vector.load %arg1[%get3A, %get3A_0] : memref<1024x64xf32, #tpu.memory_space<vmem>>, vector<1024x64xf32>
    %get3A_2 = arith.constant 0 : index
    %get3A_3 = arith.constant 0 : index
    %get3A_4 = vector.load %arg0[%get3A_2, %get3A_3] : memref<1024x64xf32, #tpu.memory_space<vmem>>, vector<1024x64xf32>
    %mul3A = arith.mulf %get3A_1, %get3A_1 : vector<1024x64xf32>
    %reduce_sum3A = arith.constant dense<0.000000e+00> : vector<1024xf32>
    %reduce_sum3A_5 = vector.multi_reduction <add>, %mul3A, %reduce_sum3A [1] : vector<1024x64xf32> to vector<1024xf32>
    %broadcast_in_dim3A = vector.shape_cast %reduce_sum3A_5 : vector<1024xf32> to vector<1024x1xf32>
    %mul3A_6 = arith.mulf %get3A_4, %get3A_4 : vector<1024x64xf32>
    %reduce_sum3A_7 = arith.constant dense<0.000000e+00> : vector<1024xf32>
    %reduce_sum3A_8 = vector.multi_reduction <add>, %mul3A_6, %reduce_sum3A_7 [1] : vector<1024x64xf32> to vector<1024xf32>
    %broadcast_in_dim3A_9 = vector.shape_cast %reduce_sum3A_8 : vector<1024xf32> to vector<1024x1xf32>
    %sqrt3A = math.sqrt %broadcast_in_dim3A_9 : vector<1024x1xf32>
    %max3A = arith.constant 9.99999996E-13 : f32
    %max3A_10 = vector.broadcast %max3A : f32 to vector<1024x1xf32>
    %max3A_11 = arith.maximumf %sqrt3A, %max3A_10 : vector<1024x1xf32>
    %div3A = arith.constant 1.000000e+00 : f32
    %div3A_12 = vector.broadcast %div3A : f32 to vector<1024x1xf32>
    %div3A_13 = arith.divf %div3A_12, %max3A_11 : vector<1024x1xf32>
    %transpose3A = tpu.transpose %div3A_13, [1, 0] : vector<1024x1xf32> -> vector<1x1024xf32>
    %convert_element_type3A = arith.truncf %get3A_1 : vector<1024x64xf32> to vector<1024x64xbf16>
    %convert_element_type3A_14 = arith.extf %convert_element_type3A : vector<1024x64xbf16> to vector<1024x64xf32>
    %sub3A = arith.subf %get3A_1, %convert_element_type3A_14 : vector<1024x64xf32>
    %convert_element_type3A_15 = arith.truncf %sub3A : vector<1024x64xf32> to vector<1024x64xbf16>
    %convert_element_type3A_16 = arith.truncf %get3A_4 : vector<1024x64xf32> to vector<1024x64xbf16>
    %convert_element_type3A_17 = arith.extf %convert_element_type3A_16 : vector<1024x64xbf16> to vector<1024x64xf32>
    %sub3A_18 = arith.subf %get3A_4, %convert_element_type3A_17 : vector<1024x64xf32>
    %convert_element_type3A_19 = arith.truncf %sub3A_18 : vector<1024x64xf32> to vector<1024x64xbf16>
    %dot_general3A = arith.constant dense<0.000000e+00> : vector<1024x1024xf32>
    %dot_general3A_20 = tpu.matmul %convert_element_type3A, %convert_element_type3A_16, %dot_general3A {dimension_numbers = #tpu.dot_dimension_numbers<[1], [1], [0], [0], [0, 0, 1, 0], [], []>, transpose_lhs_hint = false} : vector<1024x64xbf16>, vector<1024x64xbf16>, vector<1024x1024xf32> -> vector<1024x1024xf32>
    %dot_general3A_21 = arith.constant dense<0.000000e+00> : vector<1024x1024xf32>
    %dot_general3A_22 = tpu.matmul %convert_element_type3A, %convert_element_type3A_19, %dot_general3A_21 {dimension_numbers = #tpu.dot_dimension_numbers<[1], [1], [0], [0], [0, 0, 1, 0], [], []>, transpose_lhs_hint = false} : vector<1024x64xbf16>, vector<1024x64xbf16>, vector<1024x1024xf32> -> vector<1024x1024xf32>
    %dot_general3A_23 = arith.constant dense<0.000000e+00> : vector<1024x1024xf32>
    %dot_general3A_24 = tpu.matmul %convert_element_type3A_15, %convert_element_type3A_16, %dot_general3A_23 {dimension_numbers = #tpu.dot_dimension_numbers<[1], [1], [0], [0], [0, 0, 1, 0], [], []>, transpose_lhs_hint = false} : vector<1024x64xbf16>, vector<1024x64xbf16>, vector<1024x1024xf32> -> vector<1024x1024xf32>
    %add3A = arith.addf %dot_general3A_22, %dot_general3A_24 : vector<1024x1024xf32>
    %add3A_25 = arith.addf %dot_general3A_20, %add3A : vector<1024x1024xf32>
    %mul3A_26 = arith.constant 2.000000e+00 : f32
    %mul3A_27 = vector.broadcast %mul3A_26 : f32 to vector<1x1024xf32>
    %mul3A_28 = arith.mulf %mul3A_27, %transpose3A : vector<1x1024xf32>
    %mul3A_29 = vector.broadcast %mul3A_28 : vector<1x1024xf32> to vector<1024x1024xf32>
    %mul3A_30 = arith.mulf %mul3A_29, %add3A_25 : vector<1024x1024xf32>
    %sub3A_31 = vector.broadcast %broadcast_in_dim3A : vector<1024x1xf32> to vector<1024x1024xf32>
    %sub3A_32 = arith.subf %sub3A_31, %mul3A_30 : vector<1024x1024xf32>
    %reduce_min3A = arith.constant dense<0x7F800000> : vector<1024xf32>
    %reduce_min3A_33 = vector.multi_reduction <minimumf>, %sub3A_32, %reduce_min3A [0] : vector<1024x1024xf32> to vector<1024xf32>
    %broadcast_in_dim3A_34 = vector.shape_cast %reduce_min3A_33 : vector<1024xf32> to vector<1x1024xf32>
    %iota3A = tpu.iota {dimensions = array<i32: 0>} : vector<1024x1024xi32>
    %eq3A = vector.broadcast %broadcast_in_dim3A_34 : vector<1x1024xf32> to vector<1024x1024xf32>
    %eq3A_35 = arith.cmpf oeq, %sub3A_32, %eq3A : vector<1024x1024xf32>
    %jit3A = arith.constant 1024 : i32
    %broadcast_in_dim3A_36 = vector.broadcast %jit3A : i32 to vector<1024x1024xi32>
    %select_n3A = arith.select %eq3A_35, %iota3A, %broadcast_in_dim3A_36 : vector<1024x1024xi1>, vector<1024x1024xi32>
    %reduce_min3A_37 = arith.constant dense<2147483647> : vector<1024xi32>
    %reduce_min3A_38 = vector.multi_reduction <minsi>, %select_n3A, %reduce_min3A_37 [0] : vector<1024x1024xi32> to vector<1024xi32>
    %swap3A = arith.constant 0 : index
    %swap3A_39 = vector.load %arg2[%swap3A] : memref<1024xi32, #tpu.memory_space<vmem>>, vector<1024xi32>
    tpu.vector_store %arg2[%swap3A], %reduce_min3A_38 {strides = array<i32>} : memref<1024xi32, #tpu.memory_space<vmem>>, vector<1024xi32>,
    return
  }
}

</mosaic_0001>

<sc_bundles>
// kernel: kernel.4.cloned.1.call-start
scs
__scs_entry_jumppad:
0x0: {  	(pc) =	sbr.rel $0x88, $3  }
0x1: {  	(tag) =	ssettag $0x0;
	lr =	simm.s32 $0x1  }
0x2: {  	[smem:$0x3F9F] =	sst lr;
	_ =	strace $0xD0000000  }
0x3: {  	_ = 	snop  }
0x4: {  	_ = 	snop  }
0x5: {  	_ = 	snop  }
0x6: {  	_ = 	snop  }
0x7: {  	_ = 	snop  }
__scs_overlays_trampoline_lowered:
0x8: {  	[smem:$0x3FAE] =	sst s0  }
0x9: {  	[smem:$0x3FAF] =	sst s1  }
0xa: {  	[smem:$0x3FB0] =	sst s2  }
0xb: {  	[smem:$0x3FB1] =	sst s3  }
0xc: {  	[smem:$0x3FB2] =	sst s4  }
0xd: {  	[smem:$0x3FB3] =	sst s5  }
0xe: {  	[smem:$0x3FB4] =	sst s6  }
0xf: {  	[smem:$0x3FB5] =	sst s7  }
0x10: {  	[smem:$0x3FB6] =	sst s8  }
0x11: {  	[smem:$0x3FB7] =	sst s9;
	s0 =	simm.s32 @!p0 $0x0  }
0x12: {  	s1 =	sld [smem:$0x3F9D];
	s0 =	simm.s32 @p0 $0x1  }
0x13: {  	[smem:$0x3FB8] =	sst s0;
	s0 =	simm.s32 @!p1 $0x0  }
0x14: {  	s2 =	sld [smem:$0x3F9C];
	s0 =	simm.s32 @p1 $0x1  }
0x15: {  	[smem:$0x3FB9] =	sst s0;
	s0 =	simm.s32 @!p2 $0x0  }
0x16: {  	s3 =	sld [smem:$0x3FDB];
	s0 =	simm.s32 @p2 $0x1  }
0x17: {  	s4 =	simm.s32 $0x1BF5;
	[smem:$0x3FBB] =	sst s0  }
0x18: {  	s0 =	sld [smem:$0x3F9E];
	_ =	swait.ge [sflag:s4], $0x0  }
0x19: {  	s7 =	sld [smem:$0x3F9F]  }
0x1a: {  	s8 =	sadd.s32 $0xFFFFE003, lr  }
0x1b: {  	s9 =	sadd.s32 $0xFFFFFEF7, lr;
	s5 =	simm.s32 $0xFFFFFFFF;
	p2 =	slt.u32 s8, $0xFFFFF086  }
0x1c: {  	p1 =	slt.u32 s9, $0xF7A;
	s5 =	simm.s32 @!p2 $0x0  }
0x1d: {  	s5 =	simm.s32 @p1 $0x1;
	p0 =	seq.s32 s7, s2  }
0x1e: {  	s7 =	smul.u32 @!p0 $0xF7A, s2;
	p2 =	seq.s32 @!p0 s5, $0x0  }
0x1f: {  	s9 =	smul.u32 $0xF7A, s1;
	s8 =	simm.s32 @!p0 $0x1BF5;
	p2 =	por !p2, p0  }
0x20: {  	[sflag:s8] =	ssyncset.s32 @!p0 $0xFFFFF086;
	s6 =	sadd.s32 @!p0 s3, s7;
	s7 =	simm.s32 @!p0 $0x108  }
0x21: {  	s3 =	sadd.s32 s3, s9;
	s6 =	sadd.s32 @!p0 $0x88, s6;
	s7 =	simm.s32 @p2 $0x1082  }
0x22: {  	[simem:s7], [sflag:s8] =	dma.local @!p0 [hbm:s6], $0xF7A  }
0x23: {  	s9 =	sor.u32 $0xD0000000, s2;
	s6 =	simm.s32 $0x108;
	_ =	swait.ge @!p0 [sflag:s8], $0x0  }
0x24: {  	s3 =	sadd.s32 $0x88, s3;
	s6 =	simm.s32 @!p1 $0x1082;
	[sflag:s4] =	ssyncset.s32 $0xFFFFF086  }
0x25: {  	[simem:s6], [sflag:s4] =	dma.local [hbm:s3], $0xF7A  }
0x26: {  	[smem:$0x3F9F] =	sst s1;
	(tag) =	ssettag s2;
	_ =	strace s9  }
0x27: {  	s1 =	sld [smem:$0x3FAF]  }
0x28: {  	s2 =	sld [smem:$0x3FB0]  }
0x29: {  	s4 =	sld [smem:$0x3FB2]  }
0x2a: {  	p0 =	seq.s32 s5, $0x0;
	s5 =	sld [smem:$0x3FB3]  }
0x2b: {  	s6 =	sld [smem:$0x3FB4]  }
0x2c: {  	s7 =	sld [smem:$0x3FB5]  }
0x2d: {  	s3 =	simm.s32 $0x108;
	s8 =	sld [smem:$0x3FB6]  }
0x2e: {  	s3 =	simm.s32 @!p0 $0x1082;
	s9 =	sld [smem:$0x3FB7]  }
0x2f: {  	lr =	sadd.s32 s0, s3;
	s0 =	sld [smem:$0x3FAE]  }
0x30: {  	s3 =	sld [smem:$0x3FB1]  }
0x31: {  	[smem:$0x3FBA] =	sst s10  }
0x32: {  	s10 =	sld [smem:$0x3FB8];
	_ =	sdelay $0x3  }
0x33: {  	p0 =	seq.s32 s10, $0x1;
	s10 =	sld [smem:$0x3FBA];
	_ =	sdelay $0x3  }
0x34: {  	[smem:$0x3FBA] =	sst s10  }
0x35: {  	s10 =	sld [smem:$0x3FB9];
	_ =	sdelay $0x3  }
0x36: {  	p1 =	seq.s32 s10, $0x1;
	s10 =	sld [smem:$0x3FBA];
	_ =	sdelay $0x3  }
0x37: {  	[smem:$0x3FBA] =	sst s10  }
0x38: {  	s10 =	sld [smem:$0x3FBB]  }
0x39: {  	_ = 	snop;
	(pc) =	sbr.ind lr, $3  }
0x3a: {  	_ = 	snop  }
0x3b: {  	_ = 	snop  }
0x3c: {  	p2 =	seq.s32 s10, $0x1;
	s10 =	sld [smem:$0x3FBA]  }
0x3d: {  	_ =	shalt  }
0x3e: {  	_ =	shalt  }
0x3f: {  	_ =	shalt  }
0x40: {  	_ =	shalt  }
0x41: {  	_ =	shalt  }
0x42: {  	_ =	shalt  }
0x43: {  	_ =	shalt  }
0x44: {  	_ =	shalt  }
0x45: {  	_ =	shalt  }
0x46: {  	_ =	shalt  }
0x47: {  	_ =	shalt  }
0x48: {  	_ =	shalt  }
0x49: {  	_ =	shalt  }
0x4a: {  	_ =	shalt  }
0x4b: {  	_ =	shalt  }
0x4c: {  	_ =	shalt  }
0x4d: {  	_ =	shalt  }
0x4e: {  	_ =	shalt  }
0x4f: {  	_ =	shalt  }
0x50: {  	_ =	shalt  }
0x51: {  	_ =	shalt  }
0x52: {  	_ =	shalt  }
0x53: {  	_ =	shalt  }
0x54: {  	_ =	shalt  }
0x55: {  	_ =	shalt  }
0x56: {  	_ =	shalt  }
0x57: {  	_ =	shalt  }
0x58: {  	_ =	shalt  }
0x59: {  	_ =	shalt  }
0x5a: {  	_ =	shalt  }
0x5b: {  	_ =	shalt  }
0x5c: {  	_ =	shalt  }
0x5d: {  	_ =	shalt  }
0x5e: {  	_ =	shalt  }
0x5f: {  	_ =	shalt  }
0x60: {  	_ =	shalt  }
0x61: {  	_ =	shalt  }
0x62: {  	_ =	shalt  }
0x63: {  	_ =	shalt  }
0x64: {  	_ =	shalt  }
0x65: {  	_ =	shalt  }
0x66: {  	_ =	shalt  }
0x67: {  	_ =	shalt  }
0x68: {  	_ =	shalt  }
0x69: {  	_ =	shalt  }
0x6a: {  	_ =	shalt  }
0x6b: {  	_ =	shalt  }
0x6c: {  	_ =	shalt  }
0x6d: {  	_ =	shalt  }
0x6e: {  	_ =	shalt  }
0x6f: {  	_ =	shalt  }
0x70: {  	_ =	shalt  }
0x71: {  	_ =	shalt  }
0x72: {  	_ =	shalt  }
0x73: {  	_ =	shalt  }
0x74: {  	_ =	shalt  }
0x75: {  	_ =	shalt  }
0x76: {  	_ =	shalt  }
0x77: {  	_ =	shalt  }
0x78: {  	_ =	shalt  }
0x79: {  	_ =	shalt  }
0x7a: {  	_ =	shalt  }
0x7b: {  	_ =	shalt  }
0x7c: {  	_ =	shalt  }
0x7d: {  	_ =	shalt  }
0x7e: {  	_ =	shalt  }
0x7f: {  	_ =	shalt  }
0x80: {  	_ =	shalt  }
0x81: {  	_ =	shalt  }
0x82: {  	_ =	shalt  }
0x83: {  	_ =	shalt  }
0x84: {  	_ =	shalt  }
0x85: {  	_ =	shalt  }
0x86: {  	_ =	shalt  }
0x87: {  	_ =	shalt  }
.Lfunc_end0:
.L_simem_size_0:
called_computation_lowered:
.L_overlay_start_0:
0x88: {  	s2 =	sld [smem:$0x3FD9]  }
0x89: {  	s3 =	sld [smem:$0x3FFE];
	_ =	sdelay $0x1  }
0x8a: {  	s1 =	srdreg.scid  }
0x8b: {  	s0 =	sand.u32 $0x1, s1  }
0x8c: {  	s17 =	sshll.u32 s0, $0xA;
	s2 =	sadd.s32 s3, s2  }
0x8d: {  	s2 =	sadd.s32 s2, s17  }
0x8e: {  	[smem:$0x3FC6] =	sst s2  }
0x8f: {  	_ = 	snop  }
0x90: {  	s2 =	sld [smem:$0x3FD0];
	(tm) =	ssettm $0x1  }
0x91: {  	s18 =	sld [smem:$0x3FFB];
	_ =	sdelay $0x3  }
0x92: {  	_ =	strace s18  }
0x93: {  	s3 =	sld [smem:$0x3FFC];
	_ =	sdelay $0x3  }
0x94: {  	_ =	strace s3  }
0x95: {  	s3 =	sld [smem:$0x3FFD];
	_ =	sdelay $0x3  }
0x96: {  	_ =	strace s3  }
0x97: {  	_ =	strace $0x8FFFFFFF  }
0x98: {  	s19 =	sld [smem:$0x3FDB];
	_ =	sdelay $0x1  }
0x99: {  	s4 =	simm.s32 $_scs_section_size  }
0x9a: {  	s5 =	simm.s32 $_size__tile_overlayer_lowered;
	s6 =	simm.s32 $_tile_overlayer_lowered  }
0x9b: {  	s22 =	simm.s32 $0x1BFF;
	s21 =	sshll.u32 s6, $0x1;
	s3 =	sadd.s32 s4, s19  }
0x9c: {  	s7 =	simm.s32 $0x0;
	s20 =	sshll.u32 s5, $0x1;
	s5 =	sadd.s32 s21, s3  }
0x9d: {  	[timem:s7], [sflag:s22] =	dma.local [hbm:s5], s20  }
0x9e: {  	_ =	swait.ge [sflag:s22], s20  }
0x9f: {  	s4 =	ssub.s32 $0x0, s20;
	[sflag:s22] =	ssyncset.done $0x0  }
0xa0: {  	[sflag:s22] =	ssyncadd.s32 s4;
	_ =	sdelay $0x1  }
0xa1: {  	s23 =	simm.s32 $0x1B8B  }
0xa2: {  	_ =	swait.ge [sflag:s23], $0x1  }
0xa3: {  	[sflag:s23] =	ssyncset.done $0x0  }
0xa4: {  	s25 =	simm.s32 $0x1B8E;
	s24 =	sld [smem:$0x3FFE];
	[sflag:s23] =	ssyncadd.s32 $0xFFFFFFFF  }
0xa5: {  	s26 =	simm.s32 $execute0_lowered;
	[smem:$0x3FD2] =	sst s25  }
0xa6: {  	s5 =	sshll.u32 s26, $0x1;
	_ =	strace $0x80000046;
	[dreg:$0x1] =	wrdreg $0xFFFFFFFF  }
0xa7: {  	s28 =	simm.s32 $_size_execute0_lowered;
	s3 =	sadd.s32 s3, s5;
	[dreg:$0x0] =	wrdreg $0x0  }
0xa8: {  	s5 =	sshll.u32 s28, $0x1;
	[dreg:$0x2] =	wrdreg s3  }
0xa9: {  	[dreg:$0x3] =	wrdreg s5  }
0xaa: {  	[dreg:$0x4] =	wrdreg $0xC0  }
0xab: {  	_ =	task [dreg:s7], $0x5FFFF  }
0xac: {  	[dreg:$0x1] =	wrdreg $0xFFFFFFFF  }
0xad: {  	[dreg:$0x0] =	wrdreg $0x60  }
0xae: {  	[dreg:$0x2] =	wrdreg s2  }
0xaf: {  	[dreg:$0x3] =	wrdreg s24  }
0xb0: {  	[dreg:$0x4] =	wrdreg $0x8200  }
0xb1: {  	[dreg:$0x5] =	wrdreg $0x9  }
0xb2: {  	_ =	task.clear_ibuf [dreg:s7], $0x6FFFF;
	_ =	strace $0x90000046  }
0xb3: {  	s29 =	simm.s32 $0x9;
	_ =	strace $0x80000048  }
0xb4: {  	_ =	swait.ge [sflag:s29], $0x1  }
0xb5: {  	[sflag:s29] =	ssyncadd.s32 $0xFFFFFFFF  }
0xb6: {  	_ =	strace $0x90000048  }
0xb7: {  	_ =	sfence  }
0xb8: {  	s30 =	sld [smem:$0x0];
	_ =	sdelay $0x2  }
0xb9: {  	s31 =	sshll.u32 s1, $0xD;
	s1 =	sshrl.u32 s1, $0x2  }
0xba: {  	s3 =	sand.u32 $0x4000, s31;
	s1 =	sadd.s32 s1, s30  }
0xbb: {  	s0 =	sor.u32 s3, s0;
	s1 =	sshll.u32 s1, $0x11  }
0xbc: {  	s0 =	sor.u32 s1, s0  }
0xbd: {  	s0 =	sadd.s32 $0x8F2B, s0  }
0xbe: {  	[sflag:s0] =	ssyncadd.remote.s32 $0x1  }
0xbf: {  	_ =	sfence.sel $0xFFFF  }
0xc0: {  	[dreg:$0x0] =	wrdreg $0xFFFFFFFF;
	(pc) =	sbr.abs _section_cstart, $3  }
0xc1: {  	[dreg:$0x1] =	wrdreg $0xFFFFFFFF  }
0xc2: {  	_ =	task.clear_ibuf [dreg:s7], $0x2FFFF;
	_ =	strace $0x9FFFFFFF  }
0xc3: {  	(tm) =	ssettm $0x7FFFFFFF  }
tec
execute0_lowered:
.L_overlay_start_1:
0x0: {  	(tag) =	ssettag $0x1  }
0x1: {  	s4 =	rddreg [dreg:$0x0]  }
0x2: {  	s11 =	rddreg [dreg:$0x1]  }
0x3: {  	s2 =	rddreg [dreg:$0x2]  }
0x4: {  	s0 =	rddreg [dreg:$0x3];
	s3 =	simm.s32 $0x0;
	s5 =	srdreg.scid  }
0x5: {  	s1 =	stileid.u32;
	[smem:$0x7FF] =	sst s3  }
0x6: {  	s9 =	sand.u32 $0x1, s5;
	s28 =	sshll.u32 s1, $0x6;
	s7 =	sshll.u32 s1, $0xC  }
0x7: {  	s8 =	sshll.u32 s1, $0x9;
	_ =	strace $0x80000047;
	s6 =	sshll.u32 s9, $0x5  }
0x8: {  	s29 =	sadd.s32 s7, s2;
	s4 =	sadd.s32 s4, s8;
	s5 =	sor.u32 $0x1C02, s28  }
0x9: {  	s12 =	sor.u32 s6, s28;
	s7 =	sshrl.u32 s29, $0x3;
	s6 =	simm.s32 $0x2  }
0xa: {  	[spmem:s7], [sflag:s5] =	dma.local [hbm:s4], $0x200  }
0xb: {  	s30 =	sshrl.u32 s12, $0x3;
	_ =	swait.ge [sflag:s6], $0x200  }
0xc: {  	s8 =	sadd.s32 s30, s11;
	[sflag:s6] =	ssyncset.done $0x0  }
0xd: {  	s8 =	sadd.s32 $0x800, s8;
	[sflag:s6] =	ssyncadd.s32 $0xFFFFFE00  }
0xe: {  	[tilespmem:s3], [sflag:$0x2] =	stream.linear.gather [hbm4b:s8+s3], $0x20, $0x38;
	[tilespmem:$0x1820] =	vst v63  }
0xf: {  	s10 =	simm.s32 $0x1;
	s13 =	ssub.s32 $0x2, s9;
	_ =	swait.ge [sflag:s6], $0x20  }
0x10: {  	s9 =	simm.s32 $0x20;
	s14 =	sshrl.u32 s13, $0x1;
	[sflag:s6] =	ssyncset.done $0x0  }
0x11: {  	s12 =	sshll.u32 s12, $0x3;
	s31 =	ssub.s32 s13, s14;
	[sflag:s6] =	ssyncadd.s32 $0xFFFFFFE0  }
0x12: {  	s11 =	sadd.s32 s12, s11;
	s12 =	smax.u32 s31, $0x1;
	[bflag:$0x0] =	sbarrier.arrive $0xFFFF  }
0x13: {  	[tilespmem:s9], [sflag:$0x1] =	stream.indirect.gather [spmem:s2], $0x40, s3, s9, $0xb8;
	[tilespmem:$0x1820] =	vst v63  }
0x14: {  	p0 =	sne.s32 s12, $0x1;
	_ =	swait.ge [sflag:s10], $0x800  }
.Ltmp0:
0x15: {  	[sflag:s10] =	ssyncset.done $0x0;
	(pc) =	sbr.rel @!p0 .LBB2_2-.Ltmp0, $4  }
0x16: {  	s11 =	sadd.s32 $0xA00, s11;
	[sflag:s10] =	ssyncadd.s32 $0xFFFFF800  }
0x17: {  	[hbm4b:s11+s3] =	stream.linear.scatter [tilespmem:s9], [sflag:$0x2], $0x800, $0x38;
	[tilespmem:$0x1820] =	vst v63  }
0x18: {  	_ =	swait.ge [sflag:s6], $0x800  }
0x19: {  	s12 =	sadd.s32 $0xFFFFFFFF, s12;
	[sflag:s6] =	ssyncset.done $0x0  }
.LBB2_1:
0x1a: {  	p0 =	sne.s32 s12, $0x1;
	s12 =	sadd.s32 $0xFFFFFFFF, s12;
	[sflag:s6] =	ssyncadd.s32 $0xFFFFF800  }
0x1b: {  	[spmem:s7], [sflag:s5] =	dma.local [hbm:s4], $0x200  }
0x1c: {  	_ =	swait.ge [sflag:s6], $0x200  }
0x1d: {  	[sflag:s6] =	ssyncset.done $0x0  }
0x1e: {  	[sflag:s6] =	ssyncadd.s32 $0xFFFFFE00  }
0x1f: {  	[tilespmem:s3], [sflag:$0x2] =	stream.linear.gather [hbm4b:s8+s3], $0x20, $0x38;
	[tilespmem:$0x1820] =	vst v63  }
0x20: {  	_ =	swait.ge [sflag:s6], $0x20  }
0x21: {  	[sflag:s6] =	ssyncset.done $0x0  }
0x22: {  	[sflag:s6] =	ssyncadd.s32 $0xFFFFFFE0  }
0x23: {  	[bflag:$0x0] =	sbarrier.arrive $0xFFFF  }
0x24: {  	[tilespmem:s9], [sflag:$0x1] =	stream.indirect.gather [spmem:s2], $0x40, s3, s9, $0xb8;
	[tilespmem:$0x1820] =	vst v63  }
0x25: {  	_ =	swait.ge [sflag:s10], $0x800  }
.Ltmp1:
0x26: {  	[sflag:s10] =	ssyncset.done $0x0;
	(pc) =	sbr.rel @p0 .LBB2_1-.Ltmp1, $4  }
0x27: {  	[sflag:s10] =	ssyncadd.s32 $0xFFFFF800  }
0x28: {  	[hbm4b:s11+s3] =	stream.linear.scatter [tilespmem:s9], [sflag:$0x2], $0x800, $0x38;
	[tilespmem:$0x1820] =	vst v63  }
0x29: {  	_ =	swait.ge [sflag:s6], $0x800  }
0x2a: {  	[sflag:s6] =	ssyncset.done $0x0  }
.LBB2_2:
0x2b: {  	[sflag:s6] =	ssyncadd.s32 $0xFFFFF800  }
0x2c: {  	_ =	sfence.sel $0x180000  }
0x2d: {  	[bflag:$0x0] =	sbarrier.arrive $0xFFFF  }
0x2e: {  	p0 =	sne.s32 s1, $0x0;
	_ =	strace $0x90000047  }
0x2f: {  	s0 =	sadd.s32 @!p0 $0x100000, s0;
	[bflag:$0x2] =	sbarrier.arrive $0xFFFF  }
0x30: {  	[sflag:s0] =	ssyncadd.tile.s32 @!p0 $0x1;
	_ =	shalt  }
.Lfunc_end2:
_tile_overlayer_lowered:
.L_overlay_start_2:
0x31: {  	(tag) =	ssettag $0x2  }
0x32: {  	s0 =	rddreg [dreg:$0x0];
	s2 =	stileid.u32  }
0x33: {  	s1 =	rddreg [dreg:$0x1];
	p0 =	sne.s32 s2, $0x0  }
0x34: {  	s3 =	rddreg [dreg:$0x2];
	[bflag:$0x3] =	sbarrier.arrive $0xFFFF;
	s2 =	simm.s32 @!p0 $0x1C02  }
0x35: {  	[timem:s3], [sflag:s2] =	dma.local @!p0 [hbm:s0], s1  }
0x36: {  	s0 =	simm.s32 @!p0 $0x2  }
0x37: {  	_ =	swait.ge @!p0 [sflag:s0], s1  }
0x38: {  	s1 =	ssub.s32 @!p0 $0x0, s1;
	[sflag:s0] =	ssyncset.done @!p0 $0x0  }
0x39: {  	[sflag:s0] =	ssyncadd.s32 @!p0 s1  }
0x3a: {  	[bflag:$0x3] =	sbarrier.arrive $0xFFFF  }
0x3b: {  	_ =	shalt  }

</sc_bundles>
